<compile_context>
chip_gen: v7x
topology: tpu7x:2x2x1
jax: 0.10.2.dev20260603
libtpu: 0.0.44.dev20260713+nightly
codegen_flags: <defaults>
</compile_context>

<pallas_src>
import functools

import jax
import jax.numpy as jnp
from jax.experimental import pallas as pl
from jax.experimental.pallas import tpu as pltpu


def _body(f_ref, out_ref, acc_ref, *, nb):
    i = pl.program_id(0)

    @pl.when(i == 0)
    def _init():
        acc_ref[...] = jnp.zeros_like(acc_ref)

    acc_ref[...] = acc_ref[...] + f_ref[...]

    @pl.when(i == nb - 1)
    def _final():
        out_ref[...] = jnp.sum(acc_ref[...], keepdims=True)


def kernel(feats, labels):
    B, D, H, W = feats.shape
    nhw = H * W
    f2 = feats.reshape(B * D, nhw)
    wb = 4096
    nb = nhw // wb
    out = pl.pallas_call(
        functools.partial(_body, nb=nb),
        grid=(nb,),
        in_specs=[pl.BlockSpec((B * D, wb), lambda i: (0, i))],
        out_specs=pl.BlockSpec((1, 1), lambda i: (0, 0)),
        out_shape=jax.ShapeDtypeStruct((1, 1), jnp.float32),
        scratch_shapes=[pltpu.VMEM((B * D, wb), jnp.float32)],
        compiler_params=pltpu.CompilerParams(
            dimension_semantics=("arbitrary",)),
    )(f2)
    return out[0, 0]

# --- scband reference (transcript-rebuilt; emitter-appended) ---
"""Pipeline reference for scband-discrim-loss-18485539242916 (READ-ONLY COPY).

The authoritative reference and input builder live on the scoring server;
editing this copy changes nothing except your own understanding.
"""

import jax, jax.numpy as jnp
import numpy as np

DELTA_V = 0.5
DELTA_D = 1.5
ALPHA = 1.0
BETA = 1.0
GAMMA = 0.001
MAX_VIEWS = 100
IGNORE = -1


def setup_inputs(seed: int = 0):
    key = jax.random.key(seed)
    k1, k2 = jax.random.split(key)
    feats = jax.random.normal(k1, (2, 96, 512, 512), dtype=jnp.float32)
    labels = jax.random.randint(k2, (2, 512, 512), 0, 19, dtype=jnp.int32)
    return {"feats": feats, "labels": labels}


def reference(feats, labels):
    B, D, H, W = feats.shape
    # labels.unsqueeze(1).float() -> nearest interpolate to (H, W) -> squeeze -> long
    lab = labels.astype(jnp.float32)[:, None, :, :]
    lab = jax.image.resize(lab, (B, 1, H, W), method='nearest')
    lab = lab[:, 0].astype(jnp.int32)
    # permute(0,2,3,1) then flatten to (N, D)
    f = jnp.transpose(feats, (0, 2, 3, 1)).reshape(-1, D)
    lab_flat = lab.reshape(-1)
    num_classes = 19
    class_ids = jnp.arange(num_classes, dtype=jnp.int32)
    masks = lab_flat[None, :] == class_ids[:, None]
    counts = jnp.sum(masks, axis=1)
    valid = (counts > MAX_VIEWS) & (class_ids != IGNORE)
    total_i = jnp.sum(valid)
    total_f = total_i.astype(jnp.float32)
    safe_counts = jnp.maximum(counts, 1).astype(jnp.float32)
    loss_var = jnp.float32(0.0)
    loss_dist = jnp.float32(0.0)
    loss_reg = jnp.float32(0.0)
    means = []
    for c in range(num_classes):
        m = masks[c][:, None]
        cm = jnp.sum(jnp.where(m, f, 0.0), axis=0) / safe_counts[c]
        means.append(cm)
        d = jnp.linalg.norm(cm[None, :] - f, axis=1) - DELTA_V
        sq = jnp.maximum(d, 0.0) ** 2
        contrib = jnp.sum(jnp.where(masks[c], sq, 0.0)) / safe_counts[c]
        loss_var = loss_var + jnp.where(valid[c], contrib, 0.0)
        loss_reg = loss_reg + jnp.where(valid[c], jnp.linalg.norm(cm), 0.0)
    means_stack = jnp.stack(means)
    order = jnp.argsort(jnp.logical_not(valid))
    means_compact = means_stack[order]
    for ia in range(num_classes):
        ma = means_compact[ia]
        for ib in range(num_classes - 1):
            # NOTE: faithful to original code, which indexes cluster_mean_lst
            # with the enumerate index of other_classes (an indexing quirk).
            mb = means_compact[ib]
            dd = 2.0 * DELTA_D - jnp.linalg.norm(ma - mb)
            cond = (ia < total_i) & (ib < total_i - 1)
            loss_dist = loss_dist + jnp.where(cond, jnp.maximum(dd, 0.0) ** 2, 0.0)
    loss_var = loss_var / total_f
    loss_dist = loss_dist / (total_f * (total_f - 1.0))
    loss_reg = loss_reg / total_f
    return ALPHA * loss_var + BETA * loss_dist + GAMMA * loss_reg

if __name__ == "__main__":
    import jax
    _d = setup_inputs()
    print(jax.jit(kernel)(*tuple(_d.values())))

</pallas_src>

<mosaic_0001>
module attributes {stable_mosaic.version = 14 : i64} {
  func.func @_body(%arg0: i32, %arg1: memref<192x4096xf32, #tpu.memory_space<vmem>>, %arg2: memref<1x1xf32, #tpu.memory_space<vmem>>, %arg3: memref<192x4096xf32, #tpu.memory_space<vmem>>) attributes {dimension_semantics = [#tpu.dimension_semantics<arbitrary>], iteration_bounds = array<i64: 64>, scalar_prefetch = 0 : i64, scratch_operands = 1 : i64, tpu.core_type = #tpu.core_type<tc>, window_params = [{transform_indices = @transform_0, window_bounds = array<i64: 192, 4096>}, {pipeline_mode = #tpu.pipeline_mode<synchronous>, transform_indices = @transform_1, window_bounds = array<i64: 1, 1>}]} {
    %eq3A = arith.constant 0 : i32
    %eq3A_0 = arith.cmpi eq, %arg0, %eq3A : i32
    %convert_element_type3A = arith.extui %eq3A_0 : i1 to i32
    %cond3A = arith.constant 0 : i32
    %cond3A_1 = arith.cmpi ne, %convert_element_type3A, %cond3A : i32
    scf.if %cond3A_1 {
      %broadcast_in_dim3A = arith.constant 0.000000e+00 : f32
      %broadcast_in_dim3A_14 = vector.broadcast %broadcast_in_dim3A : f32 to vector<192x4096xf32>
      %swap3A_15 = arith.constant 0 : index
      %swap3A_16 = arith.constant 0 : index
      %swap3A_17 = vector.load %arg3[%swap3A_15, %swap3A_16] : memref<192x4096xf32, #tpu.memory_space<vmem>>, vector<192x4096xf32>
      tpu.vector_store %arg3[%swap3A_15, %swap3A_16], %broadcast_in_dim3A_14 {strides = array<i32>} : memref<192x4096xf32, #tpu.memory_space<vmem>>, vector<192x4096xf32>,
    } else {
    }
    %get3A = arith.constant 0 : index
    %get3A_2 = arith.constant 0 : index
    %get3A_3 = vector.load %arg3[%get3A, %get3A_2] : memref<192x4096xf32, #tpu.memory_space<vmem>>, vector<192x4096xf32>
    %get3A_4 = arith.constant 0 : index
    %get3A_5 = arith.constant 0 : index
    %get3A_6 = vector.load %arg1[%get3A_4, %get3A_5] : memref<192x4096xf32, #tpu.memory_space<vmem>>, vector<192x4096xf32>
    %add3A = arith.addf %get3A_3, %get3A_6 : vector<192x4096xf32>
    %swap3A = arith.constant 0 : index
    %swap3A_7 = arith.constant 0 : index
    %swap3A_8 = vector.load %arg3[%swap3A, %swap3A_7] : memref<192x4096xf32, #tpu.memory_space<vmem>>, vector<192x4096xf32>
    tpu.vector_store %arg3[%swap3A, %swap3A_7], %add3A {strides = array<i32>} : memref<192x4096xf32, #tpu.memory_space<vmem>>, vector<192x4096xf32>,
    %eq3A_9 = arith.constant 63 : i32
    %eq3A_10 = arith.cmpi eq, %arg0, %eq3A_9 : i32
    %convert_element_type3A_11 = arith.extui %eq3A_10 : i1 to i32
    %cond3A_12 = arith.constant 0 : i32
    %cond3A_13 = arith.cmpi ne, %convert_element_type3A_11, %cond3A_12 : i32
    scf.if %cond3A_13 {
      %get3A_14 = arith.constant 0 : index
      %get3A_15 = arith.constant 0 : index
      %get3A_16 = vector.load %arg3[%get3A_14, %get3A_15] : memref<192x4096xf32, #tpu.memory_space<vmem>>, vector<192x4096xf32>
      %reduce_sum3A = vector.shape_cast %get3A_16 : vector<192x4096xf32> to vector<1x192x4096xf32>
      %reduce_sum3A_17 = arith.constant dense<0.000000e+00> : vector<1xf32>
      %reduce_sum3A_18 = vector.multi_reduction <add>, %reduce_sum3A, %reduce_sum3A_17 [1, 2] : vector<1x192x4096xf32> to vector<1xf32>
      %reduce_sum3A_19 = vector.shape_cast %reduce_sum3A_18 : vector<1xf32> to vector<1x1x1xf32>
      %reduce_sum3A_20 = vector.extract %reduce_sum3A_19[0, 0, 0] : f32 from vector<1x1x1xf32>
      %broadcast_in_dim3A = vector.broadcast %reduce_sum3A_20 : f32 to vector<1x1xf32>
      %swap3A_21 = arith.constant 0 : index
      %swap3A_22 = arith.constant 0 : index
      %swap3A_23 = vector.load %arg2[%swap3A_21, %swap3A_22] : memref<1x1xf32, #tpu.memory_space<vmem>>, vector<1x1xf32>
      tpu.vector_store %arg2[%swap3A_21, %swap3A_22], %broadcast_in_dim3A {strides = array<i32>} : memref<1x1xf32, #tpu.memory_space<vmem>>, vector<1x1xf32>,
    } else {
    }
    return
  }
  func.func @transform_0(%arg0: i32) -> (i32, i32) {
    %c0_i32 = arith.constant 0 : i32
    %c0_i32_0 = arith.constant 0 : i32
    return %c0_i32, %arg0 : i32, i32
  }
  func.func @transform_1(%arg0: i32) -> (i32, i32) {
    %c0_i32 = arith.constant 0 : i32
    %c0_i32_0 = arith.constant 0 : i32
    %c0_i32_1 = arith.constant 0 : i32
    return %c0_i32, %c0_i32_0 : i32, i32
  }
}

</mosaic_0001>

<sc_bundles>
// kernel: sparse-core-data-format-call.cloned.1.call-start
scs
called_computation_lowered:
.L_overlay_start_0:
0x0: {  	s2 =	sld [smem:$0x3FD9]  }
0x1: {  	s3 =	sld [smem:$0x3FFE];
	_ =	sdelay $0x1  }
0x2: {  	s1 =	srdreg.scid  }
0x3: {  	s0 =	sand.u32 $0x1, s1  }
0x4: {  	s18 =	sshll.u32 s0, $0xA;
	s2 =	sadd.s32 s3, s2  }
0x5: {  	s2 =	sadd.s32 s2, s18  }
0x6: {  	[smem:$0x3FC7] =	sst s2  }
0x7: {  	_ = 	snop  }
0x8: {  	s2 =	sld [smem:$0x3FC9];
	(tm) =	ssettm $0x1  }
0x9: {  	s19 =	sld [smem:$0x3FFB];
	_ =	sdelay $0x3  }
0xa: {  	_ =	strace s19  }
0xb: {  	s3 =	sld [smem:$0x3FFC];
	_ =	sdelay $0x3  }
0xc: {  	_ =	strace s3  }
0xd: {  	s3 =	sld [smem:$0x3FFD];
	_ =	sdelay $0x3  }
0xe: {  	_ =	strace s3  }
0xf: {  	_ =	strace $0x8FFFFFFF  }
0x10: {  	s20 =	sld [smem:$0x3FDB];
	_ =	sdelay $0x1  }
0x11: {  	s4 =	simm.s32 $_scs_section_size  }
0x12: {  	s5 =	simm.s32 $_size__tile_overlayer_lowered;
	s6 =	simm.s32 $_tile_overlayer_lowered  }
0x13: {  	s23 =	simm.s32 $0x1BFF;
	s22 =	sshll.u32 s6, $0x1;
	s3 =	sadd.s32 s4, s20  }
0x14: {  	s7 =	simm.s32 $0x0;
	s21 =	sshll.u32 s5, $0x1;
	s5 =	sadd.s32 s22, s3  }
0x15: {  	[timem:s7], [sflag:s23] =	dma.local [hbm:s5], s21  }
0x16: {  	_ =	swait.ge [sflag:s23], s21  }
0x17: {  	s4 =	ssub.s32 $0x0, s21;
	[sflag:s23] =	ssyncset.done $0x0  }
0x18: {  	[sflag:s23] =	ssyncadd.s32 s4;
	_ =	sdelay $0x1  }
0x19: {  	s24 =	simm.s32 $0x1B8B  }
0x1a: {  	_ =	swait.ge [sflag:s24], $0x1  }
0x1b: {  	[sflag:s24] =	ssyncset.done $0x0  }
0x1c: {  	s26 =	simm.s32 $0x1B8E;
	s25 =	sld [smem:$0x3FFE];
	[sflag:s24] =	ssyncadd.s32 $0xFFFFFFFF  }
0x1d: {  	s27 =	simm.s32 $execute0_lowered;
	[smem:$0x3FD2] =	sst s26  }
0x1e: {  	s5 =	sshll.u32 s27, $0x1;
	_ =	strace $0x80000046;
	[dreg:$0x1] =	wrdreg $0xFFFFFFFF  }
0x1f: {  	s28 =	simm.s32 $_size_execute0_lowered;
	s3 =	sadd.s32 s3, s5;
	[dreg:$0x0] =	wrdreg $0x0  }
0x20: {  	s5 =	sshll.u32 s28, $0x1;
	[dreg:$0x2] =	wrdreg s3  }
0x21: {  	[dreg:$0x3] =	wrdreg s5  }
0x22: {  	[dreg:$0x4] =	wrdreg $0xC0  }
0x23: {  	_ =	task [dreg:s7], $0x5FFFF  }
0x24: {  	[dreg:$0x1] =	wrdreg $0xFFFFFFFF  }
0x25: {  	[dreg:$0x0] =	wrdreg $0x60  }
0x26: {  	[dreg:$0x2] =	wrdreg s2  }
0x27: {  	[dreg:$0x3] =	wrdreg s25  }
0x28: {  	[dreg:$0x4] =	wrdreg $0x9  }
0x29: {  	_ =	task.clear_ibuf [dreg:s7], $0x5FFFF;
	_ =	strace $0x90000046  }
0x2a: {  	s29 =	simm.s32 $0x9;
	_ =	strace $0x80000048  }
0x2b: {  	_ =	swait.ge [sflag:s29], $0x1  }
0x2c: {  	[sflag:s29] =	ssyncadd.s32 $0xFFFFFFFF  }
0x2d: {  	_ =	strace $0x90000048  }
0x2e: {  	_ =	sfence  }
0x2f: {  	s30 =	sld [smem:$0x0];
	_ =	sdelay $0x2  }
0x30: {  	s31 =	sshll.u32 s1, $0xD;
	s1 =	sshrl.u32 s1, $0x2  }
0x31: {  	s3 =	sand.u32 $0x4000, s31;
	s1 =	sadd.s32 s1, s30  }
0x32: {  	s0 =	sor.u32 s3, s0;
	s1 =	sshll.u32 s1, $0x11  }
0x33: {  	s0 =	sor.u32 s1, s0  }
0x34: {  	s0 =	sadd.s32 $0x8F2B, s0  }
0x35: {  	[sflag:s0] =	ssyncadd.remote.s32 $0x1  }
0x36: {  	_ =	sfence.sel $0xFFFF  }
0x37: {  	[dreg:$0x0] =	wrdreg $0xFFFFFFFF;
	(pc) =	sbr.abs _section_cstart, $3  }
0x38: {  	[dreg:$0x1] =	wrdreg $0xFFFFFFFF  }
0x39: {  	_ =	task.clear_ibuf [dreg:s7], $0x2FFFF;
	_ =	strace $0x9FFFFFFF  }
0x3a: {  	(tm) =	ssettm $0x7FFFFFFF  }
0x3b: {  	_ =	shalt  }
tec
execute0_lowered:
.L_overlay_start_1:
0x0: {  	(tag) =	ssettag $0x1  }
0x1: {  	s0 =	stileid.u32;
	s3 =	rddreg [dreg:$0x0]  }
0x2: {  	s1 =	srdreg.scid;
	s6 =	rddreg [dreg:$0x1]  }
0x3: {  	s8 =	simm.s32 $0x2;
	s2 =	sshll.u32 s0, $0x4;
	s1 =	sshll.u32 s1, $0x8  }
0x4: {  	s16 =	simm.s32 $0x0;
	s9 =	simm.s32 $0x1000;
	s1 =	sor.u32 s2, s1  }
0x5: {  	s10 =	simm.s32 $0x0;
	s17 =	simm.s32 $0x0;
	s2 =	sand.u32 $0x180, s1  }
0x6: {  	s19 =	simm.s32 $0x0;
	s18 =	simm.s32 $0x0;
	s1 =	ssub.s32 $0x200, s2  }
0x7: {  	s11 =	simm.s32 $0x0;
	s14 =	simm.s32 $0x0;
	s4 =	sand.u32 $0x180, s1  }
0x8: {  	s15 =	simm.s32 $0x0;
	p0 =	sne.s32 s4, $0x0;
	s4 =	simm.s32 $0x1  }
.Ltmp0:
0x9: {  	s5 =	sshrl.u32 s1, $0x9;
	s4 =	simm.s32 @!p0 $0x0;
	(pc) =	sbr.rel .LBB1_1-.Ltmp0, $4  }
0xa: {  	s7 =	sand.u32 $0x7, s0;
	s1 =	rddreg [dreg:$0x2];
	s5 =	sadd.s32 s4, s5  }
0xb: {  	_ =	strace $0x80000047;
	s4 =	simm.s32 $0x1;
	s5 =	smul.u32 $0x60, s5  }
0xc: {  	s6 =	sadd.s32 $0x400, s6;
	s13 =	smov.u32 s7;
	[sflag:s4] =	ssyncpa.u1 $0x0  }
0xd: {  	s12 =	smov.u32 s2;
	[sflag:s8] =	ssyncpa.u1 $0x0;
	s8 =	sor.u32 $0x1, s5  }
.LBB1_4:
0xe: {  	_ =	sdelay $0x3  }
0xf: {  	[tilespmem:v0+s22+$0xFFFFFFA0 ss:$0x1] =	vst.idx.msk $0xffff, v6  }
0x10: {  	v56 =	vld.idx.msk [tilespmem:v1+s21+$0x30 ss:$0x1], $0xffff;
	[tilespmem:v0+s22+$0xFFFFFFB0 ss:$0x1] =	vst.idx.msk $0xffff, v4  }
0x11: {  	v57 =	vld.idx.msk [tilespmem:v1+s21+$0xFFFFFFC0 ss:$0x1], $0xffff;
	[tilespmem:v0+s22+$0xFFFFFFC0 ss:$0x1] =	vst.idx.msk $0xffff, v2  }
0x12: {  	v58 =	vld.idx.msk [tilespmem:v1+s21+$0xFFFFFFD0 ss:$0x1], $0xffff;
	[tilespmem:v0+s22+$0xFFFFFFD0 ss:$0x1] =	vst.idx.msk $0xffff, v3  }
0x13: {  	v59 =	vld.idx.msk [tilespmem:v1+s21+$0xFFFFFFE0 ss:$0x1], $0xffff;
	[tilespmem:v0+s22+$0xFFFFFFE0 ss:$0x1] =	vst.idx.msk $0xffff, v5  }
0x14: {  	v60 =	vld.idx.msk [tilespmem:v1+s21+$0xFFFFFFF0 ss:$0x1], $0xffff;
	[tilespmem:v0+s22+$0xFFFFFFF0 ss:$0x1] =	vst.idx.msk $0xffff, v7  }
0x15: {  	v61 =	vld.idx.msk [tilespmem:v1+s21+$0x0 ss:$0x1], $0xffff;
	[tilespmem:v0+s21+$0x0 ss:$0x1] =	vst.idx.msk $0xffff, v56  }
0x16: {  	v62 =	vld.idx.msk [tilespmem:v1+s21+$0x10 ss:$0x1], $0xffff;
	[tilespmem:v0+s21+$0xFFFFFF90 ss:$0x1] =	vst.idx.msk $0xffff, v57  }
0x17: {  	s19 =	sshll.u32 s19, $0x7;
	v63 =	vld.idx.msk [tilespmem:v1+s21+$0x20 ss:$0x1], $0xffff;
	s29 =	sand.u32 $0x78, s16;
	[tilespmem:v0+s21+$0xFFFFFFA0 ss:$0x1] =	vst.idx.msk $0xffff, v58  }
0x18: {  	s30 =	sshll.u32 s16, $0x3;
	s18 =	sshll.u32 s18, $0x12;
	s19 =	sand.u32 $0x380, s19;
	[tilespmem:v0+s21+$0xFFFFFFB0 ss:$0x1] =	vst.idx.msk $0xffff, v59  }
0x19: {  	s17 =	sshll.u32 s17, $0x9;
	s22 =	sand.u32 $0xC00, s30;
	s19 =	sor.u32 s29, s19;
	[tilespmem:v0+s21+$0xFFFFFFC0 ss:$0x1] =	vst.idx.msk $0xffff, v60  }
0x1a: {  	s31 =	sand.u32 $0x7, s16;
	s18 =	sadd.s32 s6, s18;
	s19 =	sor.u32 s22, s19;
	[tilespmem:v0+s21+$0xFFFFFFD0 ss:$0x1] =	vst.idx.msk $0xffff, v61  }
0x1b: {  	s16 =	sshll.u32 s31, $0x12;
	s17 =	sadd.s32 s17, s18;
	s19 =	sshrl.u32 s19, $0x3;
	[tilespmem:v0+s21+$0xFFFFFFE0 ss:$0x1] =	vst.idx.msk $0xffff, v62  }
0x1c: {  	s16 =	sor.u32 $0x80, s16;
	[tilespmem:v0+s21+$0xFFFFFFF0 ss:$0x1] =	vst.idx.msk $0xffff, v63;
	s17 =	sadd.s32 s19, s17  }
0x1d: {  	[hbm4b:s17+s16] =	stream.strided.scatter [tilespmem:s20], [sflag:$0x2], $0x4000, s9, s16, $0x38;
	[tilespmem:$0x10000] =	vst v63  }
.LBB1_5:
0x1e: {  	s20 =	sadd.s32 $0x80, s11  }
0x1f: {  	s16 =	sadd.s32 $0x200, s12;
	s21 =	smov.u32 s12;
	p1 =	sgt.s32 s20, $0x1FF  }
0x20: {  	s21 =	smov.u32 @p1 s16  }
0x21: {  	s22 =	smov.u32 s13;
	s16 =	sadd.s32 $0x8, s13;
	p2 =	sgt.s32 s21, $0x1FF  }
0x22: {  	s22 =	smov.u32 @p2 s16  }
0x23: {  	s16 =	simm.s32 $0x1;
	p3 =	sgt.s32 s22, $0x7  }
0x24: {  	s16 =	simm.s32 @!p3 $0x0  }
0x25: {  	p0 =	slt.u32 s15, $0x2;
	s24 =	sadd.s32 s16, s14  }
0x26: {  	s17 =	smov.u32 s12;
	s20 =	simm.s32 @p1 $0x0;
	p1 =	sgt.s32 s24, $0x17  }
0x27: {  	s23 =	simm.s32 @!p0 $0x2;
	s24 =	simm.s32 @p1 $0x0;
	p1 =	sne.s32 s15, s8  }
.Ltmp1:
0x28: {  	s19 =	smov.u32 s13;
	_ =	swait.ge @!p0 [sflag:s23], $0x4000;
	(pc) =	sbr.rel @!p1 .LBB1_6-.Ltmp1, $4  }
0x29: {  	s18 =	smov.u32 s14;
	[sflag:s23] =	ssyncset.done @!p0 $0x0;
	s21 =	smov.u32 @p2 s2  }
0x2a: {  	s10 =	sadd.s32 $0x4000, s10;
	[sflag:s23] =	ssyncadd.s32 @!p0 $0xFFFFC000;
	s12 =	smov.u32 s21  }
0x2b: {  	s22 =	smov.u32 @p3 s7;
	s16 =	smov.u32 s11;
	s11 =	smov.u32 s20  }
0x2c: {  	s13 =	smov.u32 s22;
	s15 =	sadd.s32 $0x1, s15;
	s14 =	smov.u32 s24  }
.LBB1_1:
0x2d: {  	p0 =	sge.u32 s15, s5;
	s31 =	sadd.s32 $0xFFFFFFFF, s15  }
0x2e: {  	s20 =	sxor.u32 @!p0 $0xFFFFFFFF, s15;
	s21 =	sand.u32 @!p0 $0x78, s11;
	s22 =	sshll.u32 @!p0 s12, $0x9  }
0x2f: {  	s23 =	sshll.u32 @!p0 s11, $0x3;
	s24 =	sshll.u32 @!p0 s12, $0x7;
	s20 =	sshll.u32 @!p0 s20, $0xE  }
0x30: {  	s22 =	sand.u32 @!p0 $0x3F000, s22;
	s23 =	sand.u32 @!p0 $0x3FC00, s23;
	s20 =	sand.u32 @!p0 $0x4000, s20  }
0x31: {  	s22 =	sadd.s32 @!p0 s22, s23;
	s23 =	sand.u32 @!p0 $0x200, s24;
	s24 =	sand.u32 @!p0 $0x180, s24  }
0x32: {  	s22 =	sor.u32 @!p0 s23, s22;
	s21 =	sor.u32 @!p0 s21, s24;
	s23 =	sshll.u32 @!p0 s14, $0x12  }
0x33: {  	s24 =	sshll.u32 @!p0 s13, $0xF;
	s22 =	sshrl.u32 @!p0 s22, $0x3;
	s23 =	sadd.s32 @!p0 s3, s23  }
0x34: {  	s21 =	sshrl.u32 @!p0 s21, $0x3;
	s23 =	sadd.s32 @!p0 s24, s23;
	s24 =	sand.u32 @!p0 $0x7, s11  }
0x35: {  	s22 =	sand.u32 @!p0 $0x7FC0, s22;
	s21 =	sadd.s32 @!p0 s21, s23;
	s23 =	sshll.u32 @!p0 s24, $0x12  }
0x36: {  	s21 =	sadd.s32 @!p0 s22, s21;
	s22 =	sor.u32 @!p0 $0x400, s23;
	s23 =	simm.s32 @!p0 $0x1000  }
0x37: {  	[tilespmem:s20], [sflag:$0x1] =	stream.strided.gather @!p0 [hbm4b:s21+s22], $0x4000, s23, s22, $0x38;
	[tilespmem:$0x10000] =	vst v63  }
0x38: {  	p0 =	sge.u32 s31, s5  }
.Ltmp2:
0x39: {  	_ = 	snop;
	(pc) =	sbr.rel @p0 .LBB1_5-.Ltmp2, $1  }
0x3a: {  	_ =	sdelay $0x3  }
0x3b: {  	s20 =	sand.u32 $0x4000, s10  }
0x3c: {  	s21 =	sor.u32 $0x40, s20  }
0x3d: {  	v1 =	vmov s21;
	_ =	sdelay $0x1  }
0x3e: {  	_ =	swait.ge [sflag:s4], $0x4000  }
0x3f: {  	[sflag:s4] =	ssyncset.done $0x0  }
0x40: {  	s22 =	simm.s32 $0x0;
	[sflag:s4] =	ssyncadd.s32 $0xFFFFC000  }
0x41: {  	s20 =	sor.u32 $0x8070, s20;
	v7 =	vld.idx.msk [tilespmem:v1+s22+$0x30 ss:$0x1], $0xffff  }
0x42: {  	v0 =	vmov s20;
	v8 =	vld.idx.msk [tilespmem:v1+s22+$0xFFFFFFC0 ss:$0x1], $0xffff  }
0x43: {  	v6 =	vld.idx.msk [tilespmem:v1+s22+$0xFFFFFFD0 ss:$0x1], $0xffff  }
0x44: {  	v4 =	vld.idx.msk [tilespmem:v1+s22+$0xFFFFFFE0 ss:$0x1], $0xffff  }
0x45: {  	v2 =	vld.idx.msk [tilespmem:v1+s22+$0xFFFFFFF0 ss:$0x1], $0xffff  }
0x46: {  	s31 =	sshll.u32 s15, $0xE;
	v3 =	vld.idx.msk [tilespmem:v1+s22+$0x0 ss:$0x1], $0xffff  }
0x47: {  	s20 =	sand.u32 $0x4000, s31;
	v5 =	vld.idx.msk [tilespmem:v1+s22+$0x10 ss:$0x1], $0xffff;
	[tilespmem:v0+s22+$0x0 ss:$0x1] =	vst.idx.msk $0xffff, v7  }
0x48: {  	s23 =	simm.s32 $0x400;
	s21 =	simm.s32 $0x80;
	s20 =	sor.u32 $0x8000, s20;
	[tilespmem:v0+s22+$0xFFFFFF90 ss:$0x1] =	vst.idx.msk $0xffff, v8;
	v7 =	vld.idx.msk [tilespmem:v1+s22+$0x20 ss:$0x1], $0xffff  }
.LBB1_3:
0x49: {  	p0 =	sne.s32 s23, $0xFE00;
	v8 =	vld.idx.msk [tilespmem:v1+s21+$0x30 ss:$0x1], $0xffff;
	[tilespmem:v0+s22+$0xFFFFFFA0 ss:$0x1] =	vst.idx.msk $0xffff, v6  }
0x4a: {  	v9 =	vld.idx.msk [tilespmem:v1+s21+$0xFFFFFFC0 ss:$0x1], $0xffff;
	[tilespmem:v0+s22+$0xFFFFFFB0 ss:$0x1] =	vst.idx.msk $0xffff, v4  }
0x4b: {  	v6 =	vld.idx.msk [tilespmem:v1+s21+$0xFFFFFFD0 ss:$0x1], $0xffff;
	[tilespmem:v0+s22+$0xFFFFFFC0 ss:$0x1] =	vst.idx.msk $0xffff, v2  }
.Ltmp3:
0x4c: {  	v4 =	vld.idx.msk [tilespmem:v1+s21+$0xFFFFFFE0 ss:$0x1], $0xffff;
	[tilespmem:v0+s22+$0xFFFFFFD0 ss:$0x1] =	vst.idx.msk $0xffff, v3;
	(pc) =	sbr.rel @p0 .LBB1_3-.Ltmp3, $4  }
0x4d: {  	v2 =	vld.idx.msk [tilespmem:v1+s21+$0xFFFFFFF0 ss:$0x1], $0xffff;
	[tilespmem:v0+s22+$0xFFFFFFE0 ss:$0x1] =	vst.idx.msk $0xffff, v5  }
0x4e: {  	v3 =	vld.idx.msk [tilespmem:v1+s21+$0x0 ss:$0x1], $0xffff;
	[tilespmem:v0+s22+$0xFFFFFFF0 ss:$0x1] =	vst.idx.msk $0xffff, v7;
	s22 =	smov.u32 s21  }
0x4f: {  	v5 =	vld.idx.msk [tilespmem:v1+s22+$0x10 ss:$0x1], $0xffff;
	[tilespmem:v0+s22+$0x0 ss:$0x1] =	vst.idx.msk $0xffff, v8  }
0x50: {  	s21 =	sshra.s32 s23, $0x2;
	s23 =	sadd.s32 $0x200, s23;
	[tilespmem:v0+s22+$0xFFFFFF90 ss:$0x1] =	vst.idx.msk $0xffff, v9;
	v7 =	vld.idx.msk [tilespmem:v1+s22+$0x20 ss:$0x1], $0xffff  }
.Ltmp4:
0x51: {  	_ = 	snop;
	(pc) =	sbr.rel .LBB1_4-.Ltmp4, $1  }
0x52: {  	_ =	sdelay $0x3  }
.LBB1_6:
0x53: {  	_ =	sfence.sel $0x180000  }
0x54: {  	s2 =	simm.s32 $0x1;
	[bflag:$0x0] =	sbarrier.arrive $0xFFFF  }
0x55: {  	s31 =	simm.s32 $0x2;
	[sflag:s2] =	ssyncpa.u1 $0x1  }
0x56: {  	[sflag:s31] =	ssyncpa.u1 $0x1  }
0x57: {  	p0 =	sne.s32 s0, $0x0;
	_ =	strace $0x90000047  }
0x58: {  	s0 =	sadd.s32 @!p0 $0x100000, s1;
	[bflag:$0x2] =	sbarrier.arrive $0xFFFF  }
0x59: {  	[sflag:s0] =	ssyncadd.tile.s32 @!p0 $0x1;
	_ =	shalt  }
.Lfunc_end1:
_tile_overlayer_lowered:
.L_overlay_start_2:
0x5a: {  	(tag) =	ssettag $0x2  }
0x5b: {  	s0 =	rddreg [dreg:$0x0];
	s2 =	stileid.u32  }
0x5c: {  	s1 =	rddreg [dreg:$0x1];
	p0 =	sne.s32 s2, $0x0  }
0x5d: {  	s3 =	rddreg [dreg:$0x2];
	[bflag:$0x3] =	sbarrier.arrive $0xFFFF;
	s2 =	simm.s32 @!p0 $0x1C01  }
0x5e: {  	[timem:s3], [sflag:s2] =	dma.local @!p0 [hbm:s0], s1  }
0x5f: {  	s0 =	simm.s32 @!p0 $0x1  }
0x60: {  	_ =	swait.ge @!p0 [sflag:s0], s1  }
0x61: {  	s1 =	ssub.s32 @!p0 $0x0, s1;
	[sflag:s0] =	ssyncset.done @!p0 $0x0  }
0x62: {  	[sflag:s0] =	ssyncadd.s32 @!p0 s1  }
0x63: {  	[bflag:$0x3] =	sbarrier.arrive $0xFFFF  }
0x64: {  	_ =	shalt  }

</sc_bundles>
